<compile_context>
chip_gen: v7x
topology: tpu7x:2x2x1
jax: 0.10.2.dev20260603
libtpu: 0.0.44.dev20260713+nightly
codegen_flags: <defaults>
</compile_context>

<pallas_src>
import functools

import jax
import jax.numpy as jnp
from jax import lax
from jax.experimental import pallas as pl
from jax.experimental.pallas import tpu as pltpu
from jax.experimental.pallas import tpu_sc as plsc

Q = 16384
C = 4096
D = 3
QB = 1024
NB = Q // QB
K_LO = 16219

NW = 32
QW = Q // NW
NG = QW // 16


def _nn_idx_kernel(q_ref, kT_ref, idx_ref):
    q = q_ref[...]
    kT = kT_ref[...]

    q2 = jnp.sum(q * q, axis=1)
    b2 = jnp.sum(kT * kT, axis=0)
    abm2 = jax.lax.dot_general(q, -2.0 * kT, (((1,), (0,)), ((), ())),
                               preferred_element_type=jnp.float32)
    d2 = (q2[:, None] + b2[None, :]) + abm2
    idx = jnp.argmin(d2, axis=1).astype(jnp.int32)
    idx_ref[...] = idx.reshape(1, 1, QB)


def _sc_gather_kernel(kx_hbm, ky_hbm, kz_hbm, qx_hbm, qy_hbm, qz_hbm,
                      px_hbm, py_hbm, pz_hbm, idx_hbm, m2_hbm, s_hbm,
                      kx_v, ky_v, kz_v, idx_v,
                      qx_v, qy_v, qz_v, px_v, py_v, pz_v, m2_v, s_v):
    wid = lax.axis_index("s") * 2 + lax.axis_index("c")
    base = wid * QW

    pltpu.sync_copy(kx_hbm, kx_v)
    pltpu.sync_copy(ky_hbm, ky_v)
    pltpu.sync_copy(kz_hbm, kz_v)
    pltpu.sync_copy(idx_hbm.at[pl.ds(base, QW)], idx_v)
    pltpu.sync_copy(qx_hbm.at[pl.ds(base, QW)], qx_v)
    pltpu.sync_copy(qy_hbm.at[pl.ds(base, QW)], qy_v)
    pltpu.sync_copy(qz_hbm.at[pl.ds(base, QW)], qz_v)
    pltpu.sync_copy(px_hbm.at[pl.ds(base, QW)], px_v)
    pltpu.sync_copy(py_hbm.at[pl.ds(base, QW)], py_v)
    pltpu.sync_copy(pz_hbm.at[pl.ds(base, QW)], pz_v)

    def body(g, _):
        sl = pl.ds(g * 16, 16)
        iv = idx_v[sl]
        offx = plsc.load_gather(kx_v, [iv]) - qx_v[sl]
        offy = plsc.load_gather(ky_v, [iv]) - qy_v[sl]
        offz = plsc.load_gather(kz_v, [iv]) - qz_v[sl]
        m2_v[sl] = offx * offx + offy * offy + offz * offz

        s = jnp.zeros((16,), jnp.float32)
        for p_ref, off in ((px_v, offx), (py_v, offy), (pz_v, offz)):
            diff = p_ref[sl] - off
            ax = jnp.abs(diff)
            s = s + jnp.where(ax < 1.0, 0.5 * diff * diff, ax - 0.5)
        s_v[sl] = s
        return 0

    lax.fori_loop(0, NG, body, 0)

    pltpu.sync_copy(m2_v, m2_hbm.at[pl.ds(base, QW)])
    pltpu.sync_copy(s_v, s_hbm.at[pl.ds(base, QW)])


def _finalize_kernel(m2_ref, s_ref, out_ref):
    m2_all = m2_ref[0, :]
    s_all = s_ref[0, :]
    bits = jax.lax.bitcast_convert_type(m2_all, jnp.int32)

    def body(_, carry):
        lo, hi = carry
        mid = lo + (hi - lo) // 2
        cnt = jnp.sum((bits <= mid).astype(jnp.int32))
        take_lo = cnt >= K_LO + 1
        return (jnp.where(take_lo, lo, mid + 1),
                jnp.where(take_lo, mid, hi))

    lo, _ = jax.lax.fori_loop(0, 31, body, (jnp.int32(0), jnp.int32(2**31 - 1)))
    a_lo_bits = lo
    cnt_le = jnp.sum((bits <= a_lo_bits).astype(jnp.int32))
    above_min = jnp.min(jnp.where(bits > a_lo_bits, bits, jnp.int32(2**31 - 1)))
    a_hi_bits = jnp.where(cnt_le >= K_LO + 2, a_lo_bits, above_min)
    a_lo = jnp.sqrt(jax.lax.bitcast_convert_type(a_lo_bits, jnp.float32))
    a_hi = jnp.sqrt(jax.lax.bitcast_convert_type(a_hi_bits, jnp.float32))

    index = jnp.float32(0.99) * jnp.float32(Q - 1)
    thresh = a_lo * (jnp.ceil(index) - index) + a_hi * (index - jnp.floor(index))
    t2 = thresh * thresh

    mask = (m2_all <= t2).astype(jnp.float32)
    cnt = jnp.sum(mask)
    denom = jnp.maximum(cnt * jnp.float32(D), 1.0)
    loss = jnp.sum(s_all * mask) / denom
    out_ref[...] = jnp.reshape(loss, (1, 1))


@jax.jit
def kernel(pred_off, queries, keys):
    keysT = keys.T
    qT = queries.T
    pT = pred_off.T

    nn_idx = pl.pallas_call(
        _nn_idx_kernel,
        grid=(NB,),
        in_specs=[
            pl.BlockSpec((QB, D), lambda i: (i, 0)),
            pl.BlockSpec((D, C), lambda i: (0, 0)),
        ],
        out_specs=pl.BlockSpec((1, 1, QB), lambda i: (i, 0, 0)),
        out_shape=jax.ShapeDtypeStruct((NB, 1, QB), jnp.int32),
        compiler_params=pltpu.CompilerParams(
            dimension_semantics=("arbitrary",),
        ),
    )(queries, keysT)
    nn_idx = nn_idx.reshape(Q)

    mesh = plsc.VectorSubcoreMesh(core_axis_name="c", subcore_axis_name="s")
    m2, s = pl.kernel(
        _sc_gather_kernel,
        mesh=mesh,
        compiler_params=pltpu.CompilerParams(needs_layout_passes=False),
        out_type=[
            jax.ShapeDtypeStruct((Q,), jnp.float32),
            jax.ShapeDtypeStruct((Q,), jnp.float32),
        ],
        scratch_types=[
            pltpu.VMEM((C,), jnp.float32),
            pltpu.VMEM((C,), jnp.float32),
            pltpu.VMEM((C,), jnp.float32),
            pltpu.VMEM((QW,), jnp.int32),
            pltpu.VMEM((QW,), jnp.float32),
            pltpu.VMEM((QW,), jnp.float32),
            pltpu.VMEM((QW,), jnp.float32),
            pltpu.VMEM((QW,), jnp.float32),
            pltpu.VMEM((QW,), jnp.float32),
            pltpu.VMEM((QW,), jnp.float32),
            pltpu.VMEM((QW,), jnp.float32),
            pltpu.VMEM((QW,), jnp.float32),
        ],
    )(keysT[0], keysT[1], keysT[2], qT[0], qT[1], qT[2],
      pT[0], pT[1], pT[2], nn_idx)

    out = pl.pallas_call(
        _finalize_kernel,
        in_specs=[
            pl.BlockSpec((1, Q), lambda: (0, 0)),
            pl.BlockSpec((1, Q), lambda: (0, 0)),
        ],
        out_specs=pl.BlockSpec((1, 1), lambda: (0, 0)),
        out_shape=jax.ShapeDtypeStruct((1, 1), jnp.float32),
    )(m2.reshape(1, Q), s.reshape(1, Q))
    return out[0, 0]

# --- scband reference (transcript-rebuilt; emitter-appended) ---
"""Pipeline reference for scband-default-ocluster-segmentor-2508260901472 (READ-ONLY COPY).

The authoritative reference and input builder live on the scoring server;
editing this copy changes nothing except your own understanding.
"""

import jax, jax.numpy as jnp
import numpy as np


def _cdist(a, b):
    a2 = jnp.sum(a * a, axis=1, keepdims=True)
    b2 = jnp.sum(b * b, axis=1, keepdims=True).T
    d2 = a2 + b2 - 2.0 * (a @ b.T)
    return jnp.sqrt(jnp.maximum(d2, 0.0))


def _smooth_l1(x):
    ax = jnp.abs(x)
    return jnp.where(ax < 1.0, 0.5 * x * x, ax - 0.5)


def setup_inputs(seed: int = 0) -> dict:
    key = jax.random.key(seed)
    k1, k2, k3 = jax.random.split(key, 3)
    Q, C, D = 16384, 4096, 3
    queries = jax.random.normal(k1, (Q, D), dtype=jnp.float32) * 5.0
    keys = jax.random.normal(k2, (C, D), dtype=jnp.float32) * 5.0
    pred_off = jax.random.normal(k3, (Q, D), dtype=jnp.float32)
    return {"pred_off": pred_off, "queries": queries, "keys": keys}


def reference(pred_off, queries, keys):
    # 'ultra-simple' brute-force NN search from DefaultOClusterSegmentor._cal_reg_loss:
    # every miss point is snapped to its nearest pure-cluster center (torch.cdist + argmin),
    # then the regression target offset feeds a quantile-masked smooth-L1 loss.
    dist = _cdist(queries, keys)
    nn_idx = jnp.argmin(dist, axis=1)
    tgt_c = jnp.take(keys, nn_idx, axis=0)
    tgt_off = tgt_c - queries
    mag = jnp.linalg.norm(tgt_off, axis=1)
    thresh = jnp.quantile(mag, 0.99)
    mask = (mag <= thresh).astype(jnp.float32)
    elem = _smooth_l1(pred_off - tgt_off)
    denom = jnp.maximum(jnp.sum(mask) * elem.shape[1], 1.0)
    loss = jnp.sum(elem * mask[:, None]) / denom
    return loss

if __name__ == "__main__":
    import jax
    _d = setup_inputs()
    print(jax.jit(kernel)(*tuple(_d.values())))

</pallas_src>

<mosaic_0001>
#map = affine_map<(d0, d1) -> (0)>
module attributes {stable_mosaic.version = 14 : i64} {
  func.func @_sc_gather_kernel(%arg0: i32, %arg1: i32, %arg2: memref<4096xf32, #tpu.memory_space<hbm>>, %arg3: memref<4096xf32, #tpu.memory_space<hbm>>, %arg4: memref<4096xf32, #tpu.memory_space<hbm>>, %arg5: memref<16384xf32, #tpu.memory_space<hbm>>, %arg6: memref<16384xf32, #tpu.memory_space<hbm>>, %arg7: memref<16384xf32, #tpu.memory_space<hbm>>, %arg8: memref<16384xf32, #tpu.memory_space<hbm>>, %arg9: memref<16384xf32, #tpu.memory_space<hbm>>, %arg10: memref<16384xf32, #tpu.memory_space<hbm>>, %arg11: memref<16384xi32, #tpu.memory_space<hbm>>, %arg12: memref<16384xf32, #tpu.memory_space<hbm>>, %arg13: memref<16384xf32, #tpu.memory_space<hbm>>, %arg14: memref<4096xf32, #tpu.memory_space<vmem>>, %arg15: memref<4096xf32, #tpu.memory_space<vmem>>, %arg16: memref<4096xf32, #tpu.memory_space<vmem>>, %arg17: memref<512xi32, #tpu.memory_space<vmem>>, %arg18: memref<512xf32, #tpu.memory_space<vmem>>, %arg19: memref<512xf32, #tpu.memory_space<vmem>>, %arg20: memref<512xf32, #tpu.memory_space<vmem>>, %arg21: memref<512xf32, #tpu.memory_space<vmem>>, %arg22: memref<512xf32, #tpu.memory_space<vmem>>, %arg23: memref<512xf32, #tpu.memory_space<vmem>>, %arg24: memref<512xf32, #tpu.memory_space<vmem>>, %arg25: memref<512xf32, #tpu.memory_space<vmem>>) attributes {dimension_semantics = [#tpu.dimension_semantics<core_parallel>, #tpu.dimension_semantics<subcore_parallel>], iteration_bounds = array<i64: 2, 16>, scalar_prefetch = 0 : i64, scratch_operands = 12 : i64, tpu.core_type = #tpu.core_type<sc_vector_subcore>, window_params = [{transform_indices = #map}, {transform_indices = #map}, {transform_indices = #map}, {transform_indices = #map}, {transform_indices = #map}, {transform_indices = #map}, {transform_indices = #map}, {transform_indices = #map}, {transform_indices = #map}, {transform_indices = #map}, {transform_indices = #map}, {transform_indices = #map}]} {
    %mul3A = arith.constant 2 : i32
    %mul3A_0 = arith.muli %arg1, %mul3A : i32
    %add3A = arith.addi %mul3A_0, %arg0 : i32
    %mul3A_1 = arith.constant 512 : i32
    %mul3A_2 = arith.muli %add3A, %mul3A_1 : i32
    "tpu.region"() ({
      %run_scoped3A = tpu.sem_alloc : memref<!tpu.dma_semaphore, #tpu.memory_space<semaphore_mem>>
      tpu.enqueue_dma source(%arg2 : memref<4096xf32, #tpu.memory_space<hbm>>) target(%arg14 : memref<4096xf32, #tpu.memory_space<vmem>>) target_semaphore(%run_scoped3A : memref<!tpu.dma_semaphore, #tpu.memory_space<semaphore_mem>>)
      tpu.wait_dma2 semaphore(%run_scoped3A : memref<!tpu.dma_semaphore, #tpu.memory_space<semaphore_mem>>) src(%arg2 : memref<4096xf32, #tpu.memory_space<hbm>>) dst(%arg14 : memref<4096xf32, #tpu.memory_space<vmem>>)
      tpu.yield
    }) : () -> ()
    "tpu.region"() ({
      %run_scoped3A = tpu.sem_alloc : memref<!tpu.dma_semaphore, #tpu.memory_space<semaphore_mem>>
      tpu.enqueue_dma source(%arg3 : memref<4096xf32, #tpu.memory_space<hbm>>) target(%arg15 : memref<4096xf32, #tpu.memory_space<vmem>>) target_semaphore(%run_scoped3A : memref<!tpu.dma_semaphore, #tpu.memory_space<semaphore_mem>>)
      tpu.wait_dma2 semaphore(%run_scoped3A : memref<!tpu.dma_semaphore, #tpu.memory_space<semaphore_mem>>) src(%arg3 : memref<4096xf32, #tpu.memory_space<hbm>>) dst(%arg15 : memref<4096xf32, #tpu.memory_space<vmem>>)
      tpu.yield
    }) : () -> ()
    "tpu.region"() ({
      %run_scoped3A = tpu.sem_alloc : memref<!tpu.dma_semaphore, #tpu.memory_space<semaphore_mem>>
      tpu.enqueue_dma source(%arg4 : memref<4096xf32, #tpu.memory_space<hbm>>) target(%arg16 : memref<4096xf32, #tpu.memory_space<vmem>>) target_semaphore(%run_scoped3A : memref<!tpu.dma_semaphore, #tpu.memory_space<semaphore_mem>>)
      tpu.wait_dma2 semaphore(%run_scoped3A : memref<!tpu.dma_semaphore, #tpu.memory_space<semaphore_mem>>) src(%arg4 : memref<4096xf32, #tpu.memory_space<hbm>>) dst(%arg16 : memref<4096xf32, #tpu.memory_space<vmem>>)
      tpu.yield
    }) : () -> ()
    "tpu.region"() ({
      %run_scoped3A = tpu.sem_alloc : memref<!tpu.dma_semaphore, #tpu.memory_space<semaphore_mem>>
      %dma_start3A = tpu.memref_slice %arg11[%mul3A_2] : memref<16384xi32, #tpu.memory_space<hbm>> -> memref<512xi32, #tpu.memory_space<hbm>>
      %dma_start3A_9 = tpu.memref_slice %arg11[%mul3A_2] : memref<16384xi32, #tpu.memory_space<hbm>> -> memref<512xi32, #tpu.memory_space<hbm>>
      tpu.enqueue_dma source(%dma_start3A_9 : memref<512xi32, #tpu.memory_space<hbm>>) target(%arg17 : memref<512xi32, #tpu.memory_space<vmem>>) target_semaphore(%run_scoped3A : memref<!tpu.dma_semaphore, #tpu.memory_space<semaphore_mem>>)
      %dma_wait3A = tpu.memref_slice %arg11[%mul3A_2] : memref<16384xi32, #tpu.memory_space<hbm>> -> memref<512xi32, #tpu.memory_space<hbm>>
      %dma_wait3A_10 = tpu.memref_slice %arg11[%mul3A_2] : memref<16384xi32, #tpu.memory_space<hbm>> -> memref<512xi32, #tpu.memory_space<hbm>>
      tpu.wait_dma2 semaphore(%run_scoped3A : memref<!tpu.dma_semaphore, #tpu.memory_space<semaphore_mem>>) src(%dma_wait3A_10 : memref<512xi32, #tpu.memory_space<hbm>>) dst(%arg17 : memref<512xi32, #tpu.memory_space<vmem>>)
      tpu.yield
    }) : () -> ()
    "tpu.region"() ({
      %run_scoped3A = tpu.sem_alloc : memref<!tpu.dma_semaphore, #tpu.memory_space<semaphore_mem>>
      %dma_start3A = tpu.memref_slice %arg5[%mul3A_2] : memref<16384xf32, #tpu.memory_space<hbm>> -> memref<512xf32, #tpu.memory_space<hbm>>
      %dma_start3A_9 = tpu.memref_slice %arg5[%mul3A_2] : memref<16384xf32, #tpu.memory_space<hbm>> -> memref<512xf32, #tpu.memory_space<hbm>>
      tpu.enqueue_dma source(%dma_start3A_9 : memref<512xf32, #tpu.memory_space<hbm>>) target(%arg18 : memref<512xf32, #tpu.memory_space<vmem>>) target_semaphore(%run_scoped3A : memref<!tpu.dma_semaphore, #tpu.memory_space<semaphore_mem>>)
      %dma_wait3A = tpu.memref_slice %arg5[%mul3A_2] : memref<16384xf32, #tpu.memory_space<hbm>> -> memref<512xf32, #tpu.memory_space<hbm>>
      %dma_wait3A_10 = tpu.memref_slice %arg5[%mul3A_2] : memref<16384xf32, #tpu.memory_space<hbm>> -> memref<512xf32, #tpu.memory_space<hbm>>
      tpu.wait_dma2 semaphore(%run_scoped3A : memref<!tpu.dma_semaphore, #tpu.memory_space<semaphore_mem>>) src(%dma_wait3A_10 : memref<512xf32, #tpu.memory_space<hbm>>) dst(%arg18 : memref<512xf32, #tpu.memory_space<vmem>>)
      tpu.yield
    }) : () -> ()
    "tpu.region"() ({
      %run_scoped3A = tpu.sem_alloc : memref<!tpu.dma_semaphore, #tpu.memory_space<semaphore_mem>>
      %dma_start3A = tpu.memref_slice %arg6[%mul3A_2] : memref<16384xf32, #tpu.memory_space<hbm>> -> memref<512xf32, #tpu.memory_space<hbm>>
      %dma_start3A_9 = tpu.memref_slice %arg6[%mul3A_2] : memref<16384xf32, #tpu.memory_space<hbm>> -> memref<512xf32, #tpu.memory_space<hbm>>
      tpu.enqueue_dma source(%dma_start3A_9 : memref<512xf32, #tpu.memory_space<hbm>>) target(%arg19 : memref<512xf32, #tpu.memory_space<vmem>>) target_semaphore(%run_scoped3A : memref<!tpu.dma_semaphore, #tpu.memory_space<semaphore_mem>>)
      %dma_wait3A = tpu.memref_slice %arg6[%mul3A_2] : memref<16384xf32, #tpu.memory_space<hbm>> -> memref<512xf32, #tpu.memory_space<hbm>>
      %dma_wait3A_10 = tpu.memref_slice %arg6[%mul3A_2] : memref<16384xf32, #tpu.memory_space<hbm>> -> memref<512xf32, #tpu.memory_space<hbm>>
      tpu.wait_dma2 semaphore(%run_scoped3A : memref<!tpu.dma_semaphore, #tpu.memory_space<semaphore_mem>>) src(%dma_wait3A_10 : memref<512xf32, #tpu.memory_space<hbm>>) dst(%arg19 : memref<512xf32, #tpu.memory_space<vmem>>)
      tpu.yield
    }) : () -> ()
    "tpu.region"() ({
      %run_scoped3A = tpu.sem_alloc : memref<!tpu.dma_semaphore, #tpu.memory_space<semaphore_mem>>
      %dma_start3A = tpu.memref_slice %arg7[%mul3A_2] : memref<16384xf32, #tpu.memory_space<hbm>> -> memref<512xf32, #tpu.memory_space<hbm>>
      %dma_start3A_9 = tpu.memref_slice %arg7[%mul3A_2] : memref<16384xf32, #tpu.memory_space<hbm>> -> memref<512xf32, #tpu.memory_space<hbm>>
      tpu.enqueue_dma source(%dma_start3A_9 : memref<512xf32, #tpu.memory_space<hbm>>) target(%arg20 : memref<512xf32, #tpu.memory_space<vmem>>) target_semaphore(%run_scoped3A : memref<!tpu.dma_semaphore, #tpu.memory_space<semaphore_mem>>)
      %dma_wait3A = tpu.memref_slice %arg7[%mul3A_2] : memref<16384xf32, #tpu.memory_space<hbm>> -> memref<512xf32, #tpu.memory_space<hbm>>
      %dma_wait3A_10 = tpu.memref_slice %arg7[%mul3A_2] : memref<16384xf32, #tpu.memory_space<hbm>> -> memref<512xf32, #tpu.memory_space<hbm>>
      tpu.wait_dma2 semaphore(%run_scoped3A : memref<!tpu.dma_semaphore, #tpu.memory_space<semaphore_mem>>) src(%dma_wait3A_10 : memref<512xf32, #tpu.memory_space<hbm>>) dst(%arg20 : memref<512xf32, #tpu.memory_space<vmem>>)
      tpu.yield
    }) : () -> ()
    "tpu.region"() ({
      %run_scoped3A = tpu.sem_alloc : memref<!tpu.dma_semaphore, #tpu.memory_space<semaphore_mem>>
      %dma_start3A = tpu.memref_slice %arg8[%mul3A_2] : memref<16384xf32, #tpu.memory_space<hbm>> -> memref<512xf32, #tpu.memory_space<hbm>>
      %dma_start3A_9 = tpu.memref_slice %arg8[%mul3A_2] : memref<16384xf32, #tpu.memory_space<hbm>> -> memref<512xf32, #tpu.memory_space<hbm>>
      tpu.enqueue_dma source(%dma_start3A_9 : memref<512xf32, #tpu.memory_space<hbm>>) target(%arg21 : memref<512xf32, #tpu.memory_space<vmem>>) target_semaphore(%run_scoped3A : memref<!tpu.dma_semaphore, #tpu.memory_space<semaphore_mem>>)
      %dma_wait3A = tpu.memref_slice %arg8[%mul3A_2] : memref<16384xf32, #tpu.memory_space<hbm>> -> memref<512xf32, #tpu.memory_space<hbm>>
      %dma_wait3A_10 = tpu.memref_slice %arg8[%mul3A_2] : memref<16384xf32, #tpu.memory_space<hbm>> -> memref<512xf32, #tpu.memory_space<hbm>>
      tpu.wait_dma2 semaphore(%run_scoped3A : memref<!tpu.dma_semaphore, #tpu.memory_space<semaphore_mem>>) src(%dma_wait3A_10 : memref<512xf32, #tpu.memory_space<hbm>>) dst(%arg21 : memref<512xf32, #tpu.memory_space<vmem>>)
      tpu.yield
    }) : () -> ()
    "tpu.region"() ({
      %run_scoped3A = tpu.sem_alloc : memref<!tpu.dma_semaphore, #tpu.memory_space<semaphore_mem>>
      %dma_start3A = tpu.memref_slice %arg9[%mul3A_2] : memref<16384xf32, #tpu.memory_space<hbm>> -> memref<512xf32, #tpu.memory_space<hbm>>
      %dma_start3A_9 = tpu.memref_slice %arg9[%mul3A_2] : memref<16384xf32, #tpu.memory_space<hbm>> -> memref<512xf32, #tpu.memory_space<hbm>>
      tpu.enqueue_dma source(%dma_start3A_9 : memref<512xf32, #tpu.memory_space<hbm>>) target(%arg22 : memref<512xf32, #tpu.memory_space<vmem>>) target_semaphore(%run_scoped3A : memref<!tpu.dma_semaphore, #tpu.memory_space<semaphore_mem>>)
      %dma_wait3A = tpu.memref_slice %arg9[%mul3A_2] : memref<16384xf32, #tpu.memory_space<hbm>> -> memref<512xf32, #tpu.memory_space<hbm>>
      %dma_wait3A_10 = tpu.memref_slice %arg9[%mul3A_2] : memref<16384xf32, #tpu.memory_space<hbm>> -> memref<512xf32, #tpu.memory_space<hbm>>
      tpu.wait_dma2 semaphore(%run_scoped3A : memref<!tpu.dma_semaphore, #tpu.memory_space<semaphore_mem>>) src(%dma_wait3A_10 : memref<512xf32, #tpu.memory_space<hbm>>) dst(%arg22 : memref<512xf32, #tpu.memory_space<vmem>>)
      tpu.yield
    }) : () -> ()
    "tpu.region"() ({
      %run_scoped3A = tpu.sem_alloc : memref<!tpu.dma_semaphore, #tpu.memory_space<semaphore_mem>>
      %dma_start3A = tpu.memref_slice %arg10[%mul3A_2] : memref<16384xf32, #tpu.memory_space<hbm>> -> memref<512xf32, #tpu.memory_space<hbm>>
      %dma_start3A_9 = tpu.memref_slice %arg10[%mul3A_2] : memref<16384xf32, #tpu.memory_space<hbm>> -> memref<512xf32, #tpu.memory_space<hbm>>
      tpu.enqueue_dma source(%dma_start3A_9 : memref<512xf32, #tpu.memory_space<hbm>>) target(%arg23 : memref<512xf32, #tpu.memory_space<vmem>>) target_semaphore(%run_scoped3A : memref<!tpu.dma_semaphore, #tpu.memory_space<semaphore_mem>>)
      %dma_wait3A = tpu.memref_slice %arg10[%mul3A_2] : memref<16384xf32, #tpu.memory_space<hbm>> -> memref<512xf32, #tpu.memory_space<hbm>>
      %dma_wait3A_10 = tpu.memref_slice %arg10[%mul3A_2] : memref<16384xf32, #tpu.memory_space<hbm>> -> memref<512xf32, #tpu.memory_space<hbm>>
      tpu.wait_dma2 semaphore(%run_scoped3A : memref<!tpu.dma_semaphore, #tpu.memory_space<semaphore_mem>>) src(%dma_wait3A_10 : memref<512xf32, #tpu.memory_space<hbm>>) dst(%arg23 : memref<512xf32, #tpu.memory_space<vmem>>)
      tpu.yield
    }) : () -> ()
    %scan3A = arith.constant 0 : i32
    %scan3A_3 = arith.constant 0 : i32
    %scan3A_4 = arith.constant 32 : i32
    %scan3A_5 = arith.addi %scan3A_3, %scan3A_4 : i32
    %scan3A_6 = arith.constant 1 : i32
    %scan3A_7 = scf.for %scan3A_9 = %scan3A_3 to %scan3A_5 step %scan3A_6 iter_args(%scan3A_10 = %scan3A) -> (i32)  : i32 {
      %mul3A_11 = arith.constant 16 : i32
      %mul3A_12 = arith.muli %scan3A_9, %mul3A_11 : i32
      %get3A = arith.index_cast %mul3A_12 : i32 to index
      %get3A_13 = tpu.vector_load %arg17[%get3A] {strides = array<i32>} : memref<512xi32, #tpu.memory_space<vmem>>, vector<16xi32>,
      %gather3A = tpu.vector_load_idx %arg14[%get3A_13] : memref<4096xf32, #tpu.memory_space<vmem>>[vector<16xi32>], vector<16xf32>,
      %get3A_14 = arith.index_cast %mul3A_12 : i32 to index
      %get3A_15 = tpu.vector_load %arg18[%get3A_14] {strides = array<i32>} : memref<512xf32, #tpu.memory_space<vmem>>, vector<16xf32>,
      %sub3A = arith.subf %gather3A, %get3A_15 : vector<16xf32>
      %gather3A_16 = tpu.vector_load_idx %arg15[%get3A_13] : memref<4096xf32, #tpu.memory_space<vmem>>[vector<16xi32>], vector<16xf32>,
      %get3A_17 = arith.index_cast %mul3A_12 : i32 to index
      %get3A_18 = tpu.vector_load %arg19[%get3A_17] {strides = array<i32>} : memref<512xf32, #tpu.memory_space<vmem>>, vector<16xf32>,
      %sub3A_19 = arith.subf %gather3A_16, %get3A_18 : vector<16xf32>
      %gather3A_20 = tpu.vector_load_idx %arg16[%get3A_13] : memref<4096xf32, #tpu.memory_space<vmem>>[vector<16xi32>], vector<16xf32>,
      %get3A_21 = arith.index_cast %mul3A_12 : i32 to index
      %get3A_22 = tpu.vector_load %arg20[%get3A_21] {strides = array<i32>} : memref<512xf32, #tpu.memory_space<vmem>>, vector<16xf32>,
      %sub3A_23 = arith.subf %gather3A_20, %get3A_22 : vector<16xf32>
      %mul3A_24 = arith.mulf %sub3A, %sub3A : vector<16xf32>
      %mul3A_25 = arith.mulf %sub3A_19, %sub3A_19 : vector<16xf32>
      %add3A_26 = arith.addf %mul3A_24, %mul3A_25 : vector<16xf32>
      %mul3A_27 = arith.mulf %sub3A_23, %sub3A_23 : vector<16xf32>
      %add3A_28 = arith.addf %add3A_26, %mul3A_27 : vector<16xf32>
      %swap3A = arith.index_cast %mul3A_12 : i32 to index
      %swap3A_29 = tpu.vector_load %arg24[%swap3A] {strides = array<i32>} : memref<512xf32, #tpu.memory_space<vmem>>, vector<16xf32>,
      tpu.vector_store %arg24[%swap3A], %add3A_28 {strides = array<i32>} : memref<512xf32, #tpu.memory_space<vmem>>, vector<16xf32>,
      %broadcast_in_dim3A = arith.constant 0.000000e+00 : f32
      %broadcast_in_dim3A_30 = vector.broadcast %broadcast_in_dim3A : f32 to vector<16xf32>
      %get3A_31 = arith.index_cast %mul3A_12 : i32 to index
      %get3A_32 = tpu.vector_load %arg21[%get3A_31] {strides = array<i32>} : memref<512xf32, #tpu.memory_space<vmem>>, vector<16xf32>,
      %sub3A_33 = arith.subf %get3A_32, %sub3A : vector<16xf32>
      %abs3A = math.absf %sub3A_33 : vector<16xf32>
      %lt3A = arith.constant 1.000000e+00 : f32
      %lt3A_34 = vector.broadcast %lt3A : f32 to vector<16xf32>
      %lt3A_35 = arith.cmpf olt, %abs3A, %lt3A_34 : vector<16xf32>
      %mul3A_36 = arith.constant 5.000000e-01 : f32
      %mul3A_37 = vector.broadcast %mul3A_36 : f32 to vector<16xf32>
      %mul3A_38 = arith.mulf %mul3A_37, %sub3A_33 : vector<16xf32>
      %mul3A_39 = arith.mulf %mul3A_38, %sub3A_33 : vector<16xf32>
      %sub3A_40 = arith.constant 5.000000e-01 : f32
      %sub3A_41 = vector.broadcast %sub3A_40 : f32 to vector<16xf32>
      %sub3A_42 = arith.subf %abs3A, %sub3A_41 : vector<16xf32>
      %select_n3A = arith.select %lt3A_35, %mul3A_39, %sub3A_42 : vector<16xi1>, vector<16xf32>
      %add3A_43 = arith.addf %broadcast_in_dim3A_30, %select_n3A : vector<16xf32>
      %get3A_44 = arith.index_cast %mul3A_12 : i32 to index
      %get3A_45 = tpu.vector_load %arg22[%get3A_44] {strides = array<i32>} : memref<512xf32, #tpu.memory_space<vmem>>, vector<16xf32>,
      %sub3A_46 = arith.subf %get3A_45, %sub3A_19 : vector<16xf32>
      %abs3A_47 = math.absf %sub3A_46 : vector<16xf32>
      %lt3A_48 = arith.constant 1.000000e+00 : f32
      %lt3A_49 = vector.broadcast %lt3A_48 : f32 to vector<16xf32>
      %lt3A_50 = arith.cmpf olt, %abs3A_47, %lt3A_49 : vector<16xf32>
      %mul3A_51 = arith.constant 5.000000e-01 : f32
      %mul3A_52 = vector.broadcast %mul3A_51 : f32 to vector<16xf32>
      %mul3A_53 = arith.mulf %mul3A_52, %sub3A_46 : vector<16xf32>
      %mul3A_54 = arith.mulf %mul3A_53, %sub3A_46 : vector<16xf32>
      %sub3A_55 = arith.constant 5.000000e-01 : f32
      %sub3A_56 = vector.broadcast %sub3A_55 : f32 to vector<16xf32>
      %sub3A_57 = arith.subf %abs3A_47, %sub3A_56 : vector<16xf32>
      %select_n3A_58 = arith.select %lt3A_50, %mul3A_54, %sub3A_57 : vector<16xi1>, vector<16xf32>
      %add3A_59 = arith.addf %add3A_43, %select_n3A_58 : vector<16xf32>
      %get3A_60 = arith.index_cast %mul3A_12 : i32 to index
      %get3A_61 = tpu.vector_load %arg23[%get3A_60] {strides = array<i32>} : memref<512xf32, #tpu.memory_space<vmem>>, vector<16xf32>,
      %sub3A_62 = arith.subf %get3A_61, %sub3A_23 : vector<16xf32>
      %abs3A_63 = math.absf %sub3A_62 : vector<16xf32>
      %lt3A_64 = arith.constant 1.000000e+00 : f32
      %lt3A_65 = vector.broadcast %lt3A_64 : f32 to vector<16xf32>
      %lt3A_66 = arith.cmpf olt, %abs3A_63, %lt3A_65 : vector<16xf32>
      %mul3A_67 = arith.constant 5.000000e-01 : f32
      %mul3A_68 = vector.broadcast %mul3A_67 : f32 to vector<16xf32>
      %mul3A_69 = arith.mulf %mul3A_68, %sub3A_62 : vector<16xf32>
      %mul3A_70 = arith.mulf %mul3A_69, %sub3A_62 : vector<16xf32>
      %sub3A_71 = arith.constant 5.000000e-01 : f32
      %sub3A_72 = vector.broadcast %sub3A_71 : f32 to vector<16xf32>
      %sub3A_73 = arith.subf %abs3A_63, %sub3A_72 : vector<16xf32>
      %select_n3A_74 = arith.select %lt3A_66, %mul3A_70, %sub3A_73 : vector<16xi1>, vector<16xf32>
      %add3A_75 = arith.addf %add3A_59, %select_n3A_74 : vector<16xf32>
      %swap3A_76 = arith.index_cast %mul3A_12 : i32 to index
      %swap3A_77 = tpu.vector_load %arg25[%swap3A_76] {strides = array<i32>} : memref<512xf32, #tpu.memory_space<vmem>>, vector<16xf32>,
      tpu.vector_store %arg25[%swap3A_76], %add3A_75 {strides = array<i32>} : memref<512xf32, #tpu.memory_space<vmem>>, vector<16xf32>,
      %scan3A_78 = arith.constant 0 : i32
      scf.yield %scan3A_78 : i32
    }
    %scan3A_8 = arith.constant 32 : i32
    "tpu.region"() ({
      %run_scoped3A = tpu.sem_alloc : memref<!tpu.dma_semaphore, #tpu.memory_space<semaphore_mem>>
      %dma_start3A = tpu.memref_slice %arg12[%mul3A_2] : memref<16384xf32, #tpu.memory_space<hbm>> -> memref<512xf32, #tpu.memory_space<hbm>>
      %dma_start3A_9 = tpu.memref_slice %arg12[%mul3A_2] : memref<16384xf32, #tpu.memory_space<hbm>> -> memref<512xf32, #tpu.memory_space<hbm>>
      tpu.enqueue_dma source(%arg24 : memref<512xf32, #tpu.memory_space<vmem>>) target(%dma_start3A_9 : memref<512xf32, #tpu.memory_space<hbm>>) target_semaphore(%run_scoped3A : memref<!tpu.dma_semaphore, #tpu.memory_space<semaphore_mem>>)
      %dma_wait3A = tpu.memref_slice %arg12[%mul3A_2] : memref<16384xf32, #tpu.memory_space<hbm>> -> memref<512xf32, #tpu.memory_space<hbm>>
      %dma_wait3A_10 = tpu.memref_slice %arg12[%mul3A_2] : memref<16384xf32, #tpu.memory_space<hbm>> -> memref<512xf32, #tpu.memory_space<hbm>>
      tpu.wait_dma2 semaphore(%run_scoped3A : memref<!tpu.dma_semaphore, #tpu.memory_space<semaphore_mem>>) src(%arg24 : memref<512xf32, #tpu.memory_space<vmem>>) dst(%dma_wait3A_10 : memref<512xf32, #tpu.memory_space<hbm>>)
      tpu.yield
    }) : () -> ()
    "tpu.region"() ({
      %run_scoped3A = tpu.sem_alloc : memref<!tpu.dma_semaphore, #tpu.memory_space<semaphore_mem>>
      %dma_start3A = tpu.memref_slice %arg13[%mul3A_2] : memref<16384xf32, #tpu.memory_space<hbm>> -> memref<512xf32, #tpu.memory_space<hbm>>
      %dma_start3A_9 = tpu.memref_slice %arg13[%mul3A_2] : memref<16384xf32, #tpu.memory_space<hbm>> -> memref<512xf32, #tpu.memory_space<hbm>>
      tpu.enqueue_dma source(%arg25 : memref<512xf32, #tpu.memory_space<vmem>>) target(%dma_start3A_9 : memref<512xf32, #tpu.memory_space<hbm>>) target_semaphore(%run_scoped3A : memref<!tpu.dma_semaphore, #tpu.memory_space<semaphore_mem>>)
      %dma_wait3A = tpu.memref_slice %arg13[%mul3A_2] : memref<16384xf32, #tpu.memory_space<hbm>> -> memref<512xf32, #tpu.memory_space<hbm>>
      %dma_wait3A_10 = tpu.memref_slice %arg13[%mul3A_2] : memref<16384xf32, #tpu.memory_space<hbm>> -> memref<512xf32, #tpu.memory_space<hbm>>
      tpu.wait_dma2 semaphore(%run_scoped3A : memref<!tpu.dma_semaphore, #tpu.memory_space<semaphore_mem>>) src(%arg25 : memref<512xf32, #tpu.memory_space<vmem>>) dst(%dma_wait3A_10 : memref<512xf32, #tpu.memory_space<hbm>>)
      tpu.yield
    }) : () -> ()
    return
  }
}

module attributes {stable_mosaic.version = 14 : i64} {
  func.func @_finalize_kernel(%arg0: memref<1x16384xf32, #tpu.memory_space<vmem>>, %arg1: memref<1x16384xf32, #tpu.memory_space<vmem>>, %arg2: memref<1x1xf32, #tpu.memory_space<vmem>>) attributes {dimension_semantics = [], scalar_prefetch = 0 : i64, scratch_operands = 0 : i64, tpu.core_type = #tpu.core_type<tc>} {
    %get3A = arith.constant 0 : index
    %get3A_0 = arith.constant 0 : index
    %get3A_1 = vector.load %arg0[%get3A, %get3A_0] : memref<1x16384xf32, #tpu.memory_space<vmem>>, vector<1x16384xf32>
    %get3A_2 = vector.shape_cast %get3A_1 : vector<1x16384xf32> to vector<16384xf32>
    %get3A_3 = arith.constant 0 : index
    %get3A_4 = arith.constant 0 : index
    %get3A_5 = vector.load %arg1[%get3A_3, %get3A_4] : memref<1x16384xf32, #tpu.memory_space<vmem>>, vector<1x16384xf32>
    %get3A_6 = vector.shape_cast %get3A_5 : vector<1x16384xf32> to vector<16384xf32>
    %bitcast_convert_type3A = tpu.bitcast %get3A_2 : vector<16384xf32> -> vector<16384xi32>
    %scan3A = arith.constant 0 : i32
    %scan3A_7 = arith.constant 2147483647 : i32
    %scan3A_8 = arith.constant 0 : i32
    %scan3A_9 = arith.constant 31 : i32
    %scan3A_10 = arith.addi %scan3A_8, %scan3A_9 : i32
    %scan3A_11 = arith.constant 1 : i32
    %scan3A_12:2 = scf.for %scan3A_54 = %scan3A_8 to %scan3A_10 step %scan3A_11 iter_args(%scan3A_55 = %scan3A, %scan3A_56 = %scan3A_7) -> (i32, i32)  : i32 {
      %sub3A_57 = arith.subi %scan3A_56, %scan3A_55 : i32
      %jit3A_58 = arith.constant 2 : i32
      %div3A_59 = arith.divsi %sub3A_57, %jit3A_58 : i32
      %sign3A = arith.constant 0 : i32
      %sign3A_60 = arith.cmpi sgt, %sub3A_57, %sign3A : i32
      %sign3A_61 = arith.extui %sign3A_60 : i1 to i32
      %sign3A_62 = arith.constant 0 : i32
      %sign3A_63 = arith.cmpi slt, %sub3A_57, %sign3A_62 : i32
      %sign3A_64 = arith.extui %sign3A_63 : i1 to i32
      %sign3A_65 = arith.subi %sign3A_61, %sign3A_64 : i32
      %sign3A_66 = arith.constant 0 : i32
      %sign3A_67 = arith.cmpi sgt, %jit3A_58, %sign3A_66 : i32
      %sign3A_68 = arith.extui %sign3A_67 : i1 to i32
      %sign3A_69 = arith.constant 0 : i32
      %sign3A_70 = arith.cmpi slt, %jit3A_58, %sign3A_69 : i32
      %sign3A_71 = arith.extui %sign3A_70 : i1 to i32
      %sign3A_72 = arith.subi %sign3A_68, %sign3A_71 : i32
      %ne3A = arith.cmpi ne, %sign3A_65, %sign3A_72 : i32
      %rem3A = arith.remsi %sub3A_57, %jit3A_58 : i32
      %ne3A_73 = arith.constant 0 : i32
      %ne3A_74 = arith.cmpi ne, %rem3A, %ne3A_73 : i32
      %and3A = arith.andi %ne3A, %ne3A_74 : i1
      %sub3A_75 = arith.constant 1 : i32
      %sub3A_76 = arith.subi %div3A_59, %sub3A_75 : i32
      %select_n3A_77 = arith.select %and3A, %sub3A_76, %div3A_59 : i32
      %add3A_78 = arith.addi %scan3A_55, %select_n3A_77 : i32
      %le3A_79 = vector.broadcast %add3A_78 : i32 to vector<16384xi32>
      %le3A_80 = arith.cmpi sle, %bitcast_convert_type3A, %le3A_79 : vector<16384xi32>
      %convert_element_type3A_81 = arith.extui %le3A_80 : vector<16384xi1> to vector<16384xi32>
      %reduce_sum3A_82 = vector.shape_cast %convert_element_type3A_81 : vector<16384xi32> to vector<1x16384xi32>
      %reduce_sum3A_83 = arith.constant dense<0> : vector<1xi32>
      %reduce_sum3A_84 = vector.multi_reduction <add>, %reduce_sum3A_82, %reduce_sum3A_83 [1] : vector<1x16384xi32> to vector<1xi32>
      %reduce_sum3A_85 = vector.shape_cast %reduce_sum3A_84 : vector<1xi32> to vector<1x1xi32>
      %reduce_sum3A_86 = vector.extract %reduce_sum3A_85[0, 0] : i32 from vector<1x1xi32>
      %ge3A_87 = arith.constant 16220 : i32
      %ge3A_88 = arith.cmpi sge, %reduce_sum3A_86, %ge3A_87 : i32
      %add3A_89 = arith.constant 1 : i32
      %add3A_90 = arith.addi %add3A_78, %add3A_89 : i32
      %select_n3A_91 = arith.select %ge3A_88, %scan3A_55, %add3A_90 : i32
      %select_n3A_92 = arith.select %ge3A_88, %add3A_78, %scan3A_56 : i32
      scf.yield %select_n3A_91, %select_n3A_92 : i32, i32
    }
    %le3A = vector.broadcast %scan3A_12#0 : i32 to vector<16384xi32>
    %le3A_13 = arith.cmpi sle, %bitcast_convert_type3A, %le3A : vector<16384xi32>
    %convert_element_type3A = arith.extui %le3A_13 : vector<16384xi1> to vector<16384xi32>
    %reduce_sum3A = vector.shape_cast %convert_element_type3A : vector<16384xi32> to vector<1x16384xi32>
    %reduce_sum3A_14 = arith.constant dense<0> : vector<1xi32>
    %reduce_sum3A_15 = vector.multi_reduction <add>, %reduce_sum3A, %reduce_sum3A_14 [1] : vector<1x16384xi32> to vector<1xi32>
    %reduce_sum3A_16 = vector.shape_cast %reduce_sum3A_15 : vector<1xi32> to vector<1x1xi32>
    %reduce_sum3A_17 = vector.extract %reduce_sum3A_16[0, 0] : i32 from vector<1x1xi32>
    %gt3A = vector.broadcast %scan3A_12#0 : i32 to vector<16384xi32>
    %gt3A_18 = arith.cmpi sgt, %bitcast_convert_type3A, %gt3A : vector<16384xi32>
    %jit3A = arith.constant 2147483647 : i32
    %broadcast_in_dim3A = vector.broadcast %jit3A : i32 to vector<16384xi32>
    %select_n3A = arith.select %gt3A_18, %bitcast_convert_type3A, %broadcast_in_dim3A : vector<16384xi1>, vector<16384xi32>
    %reduce_min3A = vector.shape_cast %select_n3A : vector<16384xi32> to vector<1x16384xi32>
    %reduce_min3A_19 = arith.constant dense<2147483647> : vector<1xi32>
    %reduce_min3A_20 = vector.multi_reduction <minsi>, %reduce_min3A, %reduce_min3A_19 [1] : vector<1x16384xi32> to vector<1xi32>
    %reduce_min3A_21 = vector.shape_cast %reduce_min3A_20 : vector<1xi32> to vector<1x1xi32>
    %reduce_min3A_22 = vector.extract %reduce_min3A_21[0, 0] : i32 from vector<1x1xi32>
    %ge3A = arith.constant 16221 : i32
    %ge3A_23 = arith.cmpi sge, %reduce_sum3A_17, %ge3A : i32
    %select_n3A_24 = arith.select %ge3A_23, %scan3A_12#0, %reduce_min3A_22 : i32
    %bitcast_convert_type3A_25 = arith.bitcast %scan3A_12#0 : i32 to f32
    %sqrt3A = math.sqrt %bitcast_convert_type3A_25 : f32
    %bitcast_convert_type3A_26 = arith.bitcast %select_n3A_24 : i32 to f32
    %sqrt3A_27 = math.sqrt %bitcast_convert_type3A_26 : f32
    %mul3A = arith.constant 9.900000e-01 : f32
    %mul3A_28 = arith.constant 1.638300e+04 : f32
    %mul3A_29 = arith.mulf %mul3A, %mul3A_28 : f32
    %ceil3A = math.ceil %mul3A_29 : f32
    %sub3A = arith.subf %ceil3A, %mul3A_29 : f32
    %mul3A_30 = arith.mulf %sqrt3A, %sub3A : f32
    %floor3A = math.floor %mul3A_29 : f32
    %sub3A_31 = arith.subf %mul3A_29, %floor3A : f32
    %mul3A_32 = arith.mulf %sqrt3A_27, %sub3A_31 : f32
    %add3A = arith.addf %mul3A_30, %mul3A_32 : f32
    %mul3A_33 = arith.mulf %add3A, %add3A : f32
    %le3A_34 = vector.broadcast %mul3A_33 : f32 to vector<16384xf32>
    %le3A_35 = arith.cmpf ole, %get3A_2, %le3A_34 : vector<16384xf32>
    %convert_element_type3A_36 = arith.extui %le3A_35 : vector<16384xi1> to vector<16384xi32>
    %convert_element_type3A_37 = arith.sitofp %convert_element_type3A_36 : vector<16384xi32> to vector<16384xf32>
    %reduce_sum3A_38 = vector.shape_cast %convert_element_type3A_37 : vector<16384xf32> to vector<1x16384xf32>
    %reduce_sum3A_39 = arith.constant dense<0.000000e+00> : vector<1xf32>
    %reduce_sum3A_40 = vector.multi_reduction <add>, %reduce_sum3A_38, %reduce_sum3A_39 [1] : vector<1x16384xf32> to vector<1xf32>
    %reduce_sum3A_41 = vector.shape_cast %reduce_sum3A_40 : vector<1xf32> to vector<1x1xf32>
    %reduce_sum3A_42 = vector.extract %reduce_sum3A_41[0, 0] : f32 from vector<1x1xf32>
    %mul3A_43 = arith.constant 3.000000e+00 : f32
    %mul3A_44 = arith.mulf %reduce_sum3A_42, %mul3A_43 : f32
    %max3A = arith.constant 1.000000e+00 : f32
    %max3A_45 = arith.maximumf %mul3A_44, %max3A : f32
    %mul3A_46 = arith.mulf %get3A_6, %convert_element_type3A_37 : vector<16384xf32>
    %reduce_sum3A_47 = vector.shape_cast %mul3A_46 : vector<16384xf32> to vector<1x16384xf32>
    %reduce_sum3A_48 = arith.constant dense<0.000000e+00> : vector<1xf32>
    %reduce_sum3A_49 = vector.multi_reduction <add>, %reduce_sum3A_47, %reduce_sum3A_48 [1] : vector<1x16384xf32> to vector<1xf32>
    %reduce_sum3A_50 = vector.shape_cast %reduce_sum3A_49 : vector<1xf32> to vector<1x1xf32>
    %reduce_sum3A_51 = vector.extract %reduce_sum3A_50[0, 0] : f32 from vector<1x1xf32>
    %div3A = arith.divf %reduce_sum3A_51, %max3A_45 : f32
    %reshape3A = vector.broadcast %div3A : f32 to vector<1x1xf32>
    %swap3A = arith.constant 0 : index
    %swap3A_52 = arith.constant 0 : index
    %swap3A_53 = vector.load %arg2[%swap3A, %swap3A_52] : memref<1x1xf32, #tpu.memory_space<vmem>>, vector<1x1xf32>
    tpu.vector_store %arg2[%swap3A, %swap3A_52], %reshape3A {strides = array<i32>} : memref<1x1xf32, #tpu.memory_space<vmem>>, vector<1x1xf32>,
    return
  }
}

module attributes {stable_mosaic.version = 14 : i64} {
  func.func @_nn_idx_kernel(%arg0: i32, %arg1: memref<1024x3xf32, #tpu.memory_space<vmem>>, %arg2: memref<3x4096xf32, #tpu.memory_space<vmem>>, %arg3: memref<1x1x1024xi32, #tpu.memory_space<vmem>>) attributes {dimension_semantics = [#tpu.dimension_semantics<arbitrary>], iteration_bounds = array<i64: 16>, scalar_prefetch = 0 : i64, scratch_operands = 0 : i64, tpu.core_type = #tpu.core_type<tc>, window_params = [{transform_indices = @transform_0, window_bounds = array<i64: 1024, 3>}, {pipeline_mode = #tpu.pipeline_mode<synchronous>, transform_indices = @transform_1, window_bounds = array<i64: 3, 4096>}, {transform_indices = @transform_2, window_bounds = array<i64: 1, 1, 1024>}]} {
    %get3A = arith.constant 0 : index
    %get3A_0 = arith.constant 0 : index
    %get3A_1 = vector.load %arg1[%get3A, %get3A_0] : memref<1024x3xf32, #tpu.memory_space<vmem>>, vector<1024x3xf32>
    %get3A_2 = arith.constant 0 : index
    %get3A_3 = arith.constant 0 : index
    %get3A_4 = vector.load %arg2[%get3A_2, %get3A_3] : memref<3x4096xf32, #tpu.memory_space<vmem>>, vector<3x4096xf32>
    %mul3A = arith.mulf %get3A_1, %get3A_1 : vector<1024x3xf32>
    %reduce_sum3A = arith.constant dense<0.000000e+00> : vector<1024xf32>
    %reduce_sum3A_5 = vector.multi_reduction <add>, %mul3A, %reduce_sum3A [1] : vector<1024x3xf32> to vector<1024xf32>
    %mul3A_6 = arith.mulf %get3A_4, %get3A_4 : vector<3x4096xf32>
    %reduce_sum3A_7 = arith.constant dense<0.000000e+00> : vector<4096xf32>
    %reduce_sum3A_8 = vector.multi_reduction <add>, %mul3A_6, %reduce_sum3A_7 [0] : vector<3x4096xf32> to vector<4096xf32>
    %mul3A_9 = arith.constant -2.000000e+00 : f32
    %mul3A_10 = vector.broadcast %mul3A_9 : f32 to vector<3x4096xf32>
    %mul3A_11 = arith.mulf %mul3A_10, %get3A_4 : vector<3x4096xf32>
    %dot_general3A = arith.constant dense<0.000000e+00> : vector<1024x4096xf32>
    %dot_general3A_12 = tpu.matmul %get3A_1, %mul3A_11, %dot_general3A {dimension_numbers = #tpu.dot_dimension_numbers<[1], [0], [0], [1], [0, 0, 1, 1], [], []>, transpose_lhs_hint = false} : vector<1024x3xf32>, vector<3x4096xf32>, vector<1024x4096xf32> -> vector<1024x4096xf32>
    %broadcast_in_dim3A = vector.shape_cast %reduce_sum3A_5 : vector<1024xf32> to vector<1024x1xf32>
    %broadcast_in_dim3A_13 = vector.shape_cast %reduce_sum3A_8 : vector<4096xf32> to vector<1x4096xf32>
    %add3A = vector.broadcast %broadcast_in_dim3A : vector<1024x1xf32> to vector<1024x4096xf32>
    %add3A_14 = vector.broadcast %broadcast_in_dim3A_13 : vector<1x4096xf32> to vector<1024x4096xf32>
    %add3A_15 = arith.addf %add3A, %add3A_14 : vector<1024x4096xf32>
    %add3A_16 = arith.addf %add3A_15, %dot_general3A_12 : vector<1024x4096xf32>
    %argmin3A = tpu.reduce_index %add3A_16 {axis = 1 : i32, kind = #tpu.reduction_kind<arg_min>} : vector<1024x4096xf32> -> vector<1024xi32>
    %reshape3A = vector.shape_cast %argmin3A : vector<1024xi32> to vector<1x1x1024xi32>
    %swap3A = arith.constant 0 : index
    %swap3A_17 = arith.constant 0 : index
    %swap3A_18 = arith.constant 0 : index
    %swap3A_19 = vector.load %arg3[%swap3A, %swap3A_17, %swap3A_18] : memref<1x1x1024xi32, #tpu.memory_space<vmem>>, vector<1x1x1024xi32>
    tpu.vector_store %arg3[%swap3A, %swap3A_17, %swap3A_18], %reshape3A {strides = array<i32>} : memref<1x1x1024xi32, #tpu.memory_space<vmem>>, vector<1x1x1024xi32>,
    return
  }
  func.func @transform_0(%arg0: i32) -> (i32, i32) {
    %c0_i32 = arith.constant 0 : i32
    %c0_i32_0 = arith.constant 0 : i32
    return %arg0, %c0_i32 : i32, i32
  }
  func.func @transform_1(%arg0: i32) -> (i32, i32) {
    %c0_i32 = arith.constant 0 : i32
    %c0_i32_0 = arith.constant 0 : i32
    %c0_i32_1 = arith.constant 0 : i32
    return %c0_i32, %c0_i32_0 : i32, i32
  }
  func.func @transform_2(%arg0: i32) -> (i32, i32, i32) {
    %c0_i32 = arith.constant 0 : i32
    %c0_i32_0 = arith.constant 0 : i32
    %c0_i32_1 = arith.constant 0 : i32
    return %arg0, %c0_i32, %c0_i32_0 : i32, i32, i32
  }
}

</mosaic_0001>

<sc_bundles>
// kernel: kernel.5.cloned.1.call-start
scs
__scs_entry_jumppad:
0x0: {  	(pc) =	sbr.rel $0x88, $3  }
0x1: {  	(tag) =	ssettag $0x0;
	lr =	simm.s32 $0x1  }
0x2: {  	[smem:$0x3F9E] =	sst lr;
	_ =	strace $0xD0000000  }
0x3: {  	_ = 	snop  }
0x4: {  	_ = 	snop  }
0x5: {  	_ = 	snop  }
0x6: {  	_ = 	snop  }
0x7: {  	_ = 	snop  }
__scs_overlays_trampoline_lowered:
0x8: {  	[smem:$0x3FAD] =	sst s0  }
0x9: {  	[smem:$0x3FAE] =	sst s1  }
0xa: {  	[smem:$0x3FAF] =	sst s2  }
0xb: {  	[smem:$0x3FB0] =	sst s3  }
0xc: {  	[smem:$0x3FB1] =	sst s4  }
0xd: {  	[smem:$0x3FB2] =	sst s5  }
0xe: {  	[smem:$0x3FB3] =	sst s6  }
0xf: {  	[smem:$0x3FB4] =	sst s7  }
0x10: {  	[smem:$0x3FB5] =	sst s8  }
0x11: {  	[smem:$0x3FB6] =	sst s9;
	s0 =	simm.s32 @!p0 $0x0  }
0x12: {  	s1 =	sld [smem:$0x3F9C];
	s0 =	simm.s32 @p0 $0x1  }
0x13: {  	[smem:$0x3FB7] =	sst s0;
	s0 =	simm.s32 @!p1 $0x0  }
0x14: {  	s2 =	sld [smem:$0x3F9B];
	s0 =	simm.s32 @p1 $0x1  }
0x15: {  	[smem:$0x3FB8] =	sst s0;
	s0 =	simm.s32 @!p2 $0x0  }
0x16: {  	s3 =	sld [smem:$0x3FDB];
	s0 =	simm.s32 @p2 $0x1  }
0x17: {  	s4 =	simm.s32 $0x1BF5;
	[smem:$0x3FBA] =	sst s0  }
0x18: {  	s0 =	sld [smem:$0x3F9D];
	_ =	swait.ge [sflag:s4], $0x0  }
0x19: {  	s7 =	sld [smem:$0x3F9E]  }
0x1a: {  	s8 =	sadd.s32 $0xFFFFE003, lr  }
0x1b: {  	s9 =	sadd.s32 $0xFFFFFEF7, lr;
	s5 =	simm.s32 $0xFFFFFFFF;
	p2 =	slt.u32 s8, $0xFFFFF086  }
0x1c: {  	p1 =	slt.u32 s9, $0xF7A;
	s5 =	simm.s32 @!p2 $0x0  }
0x1d: {  	s5 =	simm.s32 @p1 $0x1;
	p0 =	seq.s32 s7, s2  }
0x1e: {  	s7 =	smul.u32 @!p0 $0xF7A, s2;
	p2 =	seq.s32 @!p0 s5, $0x0  }
0x1f: {  	s9 =	smul.u32 $0xF7A, s1;
	s8 =	simm.s32 @!p0 $0x1BF5;
	p2 =	por !p2, p0  }
0x20: {  	[sflag:s8] =	ssyncset.s32 @!p0 $0xFFFFF086;
	s6 =	sadd.s32 @!p0 s3, s7;
	s7 =	simm.s32 @!p0 $0x108  }
0x21: {  	s3 =	sadd.s32 s3, s9;
	s6 =	sadd.s32 @!p0 $0x88, s6;
	s7 =	simm.s32 @p2 $0x1082  }
0x22: {  	[simem:s7], [sflag:s8] =	dma.local @!p0 [hbm:s6], $0xF7A  }
0x23: {  	s9 =	sor.u32 $0xD0000000, s2;
	s6 =	simm.s32 $0x108;
	_ =	swait.ge @!p0 [sflag:s8], $0x0  }
0x24: {  	s3 =	sadd.s32 $0x88, s3;
	s6 =	simm.s32 @!p1 $0x1082;
	[sflag:s4] =	ssyncset.s32 $0xFFFFF086  }
0x25: {  	[simem:s6], [sflag:s4] =	dma.local [hbm:s3], $0xF7A  }
0x26: {  	[smem:$0x3F9E] =	sst s1;
	(tag) =	ssettag s2;
	_ =	strace s9  }
0x27: {  	s1 =	sld [smem:$0x3FAE]  }
0x28: {  	s2 =	sld [smem:$0x3FAF]  }
0x29: {  	s4 =	sld [smem:$0x3FB1]  }
0x2a: {  	p0 =	seq.s32 s5, $0x0;
	s5 =	sld [smem:$0x3FB2]  }
0x2b: {  	s6 =	sld [smem:$0x3FB3]  }
0x2c: {  	s7 =	sld [smem:$0x3FB4]  }
0x2d: {  	s3 =	simm.s32 $0x108;
	s8 =	sld [smem:$0x3FB5]  }
0x2e: {  	s3 =	simm.s32 @!p0 $0x1082;
	s9 =	sld [smem:$0x3FB6]  }
0x2f: {  	lr =	sadd.s32 s0, s3;
	s0 =	sld [smem:$0x3FAD]  }
0x30: {  	s3 =	sld [smem:$0x3FB0]  }
0x31: {  	[smem:$0x3FB9] =	sst s10  }
0x32: {  	s10 =	sld [smem:$0x3FB7];
	_ =	sdelay $0x3  }
0x33: {  	p0 =	seq.s32 s10, $0x1;
	s10 =	sld [smem:$0x3FB9];
	_ =	sdelay $0x3  }
0x34: {  	[smem:$0x3FB9] =	sst s10  }
0x35: {  	s10 =	sld [smem:$0x3FB8];
	_ =	sdelay $0x3  }
0x36: {  	p1 =	seq.s32 s10, $0x1;
	s10 =	sld [smem:$0x3FB9];
	_ =	sdelay $0x3  }
0x37: {  	[smem:$0x3FB9] =	sst s10  }
0x38: {  	s10 =	sld [smem:$0x3FBA]  }
0x39: {  	_ = 	snop;
	(pc) =	sbr.ind lr, $3  }
0x3a: {  	_ = 	snop  }
0x3b: {  	_ = 	snop  }
0x3c: {  	p2 =	seq.s32 s10, $0x1;
	s10 =	sld [smem:$0x3FB9]  }
0x3d: {  	_ =	shalt  }
0x3e: {  	_ =	shalt  }
0x3f: {  	_ =	shalt  }
0x40: {  	_ =	shalt  }
0x41: {  	_ =	shalt  }
0x42: {  	_ =	shalt  }
0x43: {  	_ =	shalt  }
0x44: {  	_ =	shalt  }
0x45: {  	_ =	shalt  }
0x46: {  	_ =	shalt  }
0x47: {  	_ =	shalt  }
0x48: {  	_ =	shalt  }
0x49: {  	_ =	shalt  }
0x4a: {  	_ =	shalt  }
0x4b: {  	_ =	shalt  }
0x4c: {  	_ =	shalt  }
0x4d: {  	_ =	shalt  }
0x4e: {  	_ =	shalt  }
0x4f: {  	_ =	shalt  }
0x50: {  	_ =	shalt  }
0x51: {  	_ =	shalt  }
0x52: {  	_ =	shalt  }
0x53: {  	_ =	shalt  }
0x54: {  	_ =	shalt  }
0x55: {  	_ =	shalt  }
0x56: {  	_ =	shalt  }
0x57: {  	_ =	shalt  }
0x58: {  	_ =	shalt  }
0x59: {  	_ =	shalt  }
0x5a: {  	_ =	shalt  }
0x5b: {  	_ =	shalt  }
0x5c: {  	_ =	shalt  }
0x5d: {  	_ =	shalt  }
0x5e: {  	_ =	shalt  }
0x5f: {  	_ =	shalt  }
0x60: {  	_ =	shalt  }
0x61: {  	_ =	shalt  }
0x62: {  	_ =	shalt  }
0x63: {  	_ =	shalt  }
0x64: {  	_ =	shalt  }
0x65: {  	_ =	shalt  }
0x66: {  	_ =	shalt  }
0x67: {  	_ =	shalt  }
0x68: {  	_ =	shalt  }
0x69: {  	_ =	shalt  }
0x6a: {  	_ =	shalt  }
0x6b: {  	_ =	shalt  }
0x6c: {  	_ =	shalt  }
0x6d: {  	_ =	shalt  }
0x6e: {  	_ =	shalt  }
0x6f: {  	_ =	shalt  }
0x70: {  	_ =	shalt  }
0x71: {  	_ =	shalt  }
0x72: {  	_ =	shalt  }
0x73: {  	_ =	shalt  }
0x74: {  	_ =	shalt  }
0x75: {  	_ =	shalt  }
0x76: {  	_ =	shalt  }
0x77: {  	_ =	shalt  }
0x78: {  	_ =	shalt  }
0x79: {  	_ =	shalt  }
0x7a: {  	_ =	shalt  }
0x7b: {  	_ =	shalt  }
0x7c: {  	_ =	shalt  }
0x7d: {  	_ =	shalt  }
0x7e: {  	_ =	shalt  }
0x7f: {  	_ =	shalt  }
0x80: {  	_ =	shalt  }
0x81: {  	_ =	shalt  }
0x82: {  	_ =	shalt  }
0x83: {  	_ =	shalt  }
0x84: {  	_ =	shalt  }
0x85: {  	_ =	shalt  }
0x86: {  	_ =	shalt  }
0x87: {  	_ =	shalt  }
.Lfunc_end0:
.L_simem_size_0:
called_computation_lowered:
.L_overlay_start_0:
0x88: {  	s2 =	sld [smem:$0x3FD9]  }
0x89: {  	s3 =	sld [smem:$0x3FFE];
	_ =	sdelay $0x1  }
0x8a: {  	s1 =	srdreg.scid  }
0x8b: {  	s0 =	sand.u32 $0x1, s1  }
0x8c: {  	s16 =	sshll.u32 s0, $0xA;
	s2 =	sadd.s32 s3, s2  }
0x8d: {  	s2 =	sadd.s32 s2, s16  }
0x8e: {  	[smem:$0x3FC5] =	sst s2  }
0x8f: {  	_ = 	snop  }
0x90: {  	(tm) =	ssettm $0x1  }
0x91: {  	s17 =	sld [smem:$0x3FFB];
	_ =	sdelay $0x3  }
0x92: {  	_ =	strace s17  }
0x93: {  	s2 =	sld [smem:$0x3FFC];
	_ =	sdelay $0x3  }
0x94: {  	_ =	strace s2  }
0x95: {  	s2 =	sld [smem:$0x3FFD];
	_ =	sdelay $0x3  }
0x96: {  	_ =	strace s2  }
0x97: {  	_ =	strace $0x8FFFFFFF  }
0x98: {  	s18 =	sld [smem:$0x3FDB];
	_ =	sdelay $0x1  }
0x99: {  	s19 =	simm.s32 $_scs_section_size  }
0x9a: {  	s4 =	simm.s32 $_size__tile_overlayer_lowered;
	s5 =	simm.s32 $_tile_overlayer_lowered  }
0x9b: {  	s22 =	simm.s32 $0x1BFF;
	s21 =	sshll.u32 s5, $0x1;
	s2 =	sadd.s32 s19, s18  }
0x9c: {  	s6 =	simm.s32 $0x0;
	s20 =	sshll.u32 s4, $0x1;
	s4 =	sadd.s32 s21, s2  }
0x9d: {  	[timem:s6], [sflag:s22] =	dma.local [hbm:s4], s20  }
0x9e: {  	_ =	swait.ge [sflag:s22], s20  }
0x9f: {  	s3 =	ssub.s32 $0x0, s20;
	[sflag:s22] =	ssyncset.done $0x0  }
0xa0: {  	[sflag:s22] =	ssyncadd.s32 s3;
	_ =	sdelay $0x1  }
0xa1: {  	s23 =	simm.s32 $0x1B8B  }
0xa2: {  	_ =	swait.ge [sflag:s23], $0x1  }
0xa3: {  	[sflag:s23] =	ssyncset.done $0x0  }
0xa4: {  	s25 =	simm.s32 $0x1B8E;
	s24 =	sld [smem:$0x3FFE];
	[sflag:s23] =	ssyncadd.s32 $0xFFFFFFFF  }
0xa5: {  	s26 =	simm.s32 $execute0_lowered;
	[smem:$0x3FD2] =	sst s25  }
0xa6: {  	s4 =	sshll.u32 s26, $0x1;
	_ =	strace $0x80000046;
	[dreg:$0x1] =	wrdreg $0xFFFFFFFF  }
0xa7: {  	s28 =	simm.s32 $_size_execute0_lowered;
	s2 =	sadd.s32 s2, s4;
	[dreg:$0x0] =	wrdreg $0x0  }
0xa8: {  	s4 =	sshll.u32 s28, $0x1;
	[dreg:$0x2] =	wrdreg s2  }
0xa9: {  	[dreg:$0x3] =	wrdreg s4  }
0xaa: {  	[dreg:$0x4] =	wrdreg $0xC0  }
0xab: {  	_ =	task [dreg:s6], $0x5FFFF  }
0xac: {  	[dreg:$0x1] =	wrdreg $0xFFFFFFFF  }
0xad: {  	[dreg:$0x0] =	wrdreg $0x60  }
0xae: {  	[dreg:$0x2] =	wrdreg s24  }
0xaf: {  	[dreg:$0x3] =	wrdreg $0x9  }
0xb0: {  	_ =	task.clear_ibuf [dreg:s6], $0x4FFFF;
	_ =	strace $0x90000046  }
0xb1: {  	s29 =	simm.s32 $0x9;
	_ =	strace $0x80000048  }
0xb2: {  	_ =	swait.ge [sflag:s29], $0x1  }
0xb3: {  	[sflag:s29] =	ssyncadd.s32 $0xFFFFFFFF  }
0xb4: {  	_ =	strace $0x90000048  }
0xb5: {  	_ =	sfence  }
0xb6: {  	s30 =	sld [smem:$0x0];
	_ =	sdelay $0x2  }
0xb7: {  	s31 =	sshll.u32 s1, $0xD;
	s1 =	sshrl.u32 s1, $0x2  }
0xb8: {  	s3 =	sand.u32 $0x4000, s31;
	s1 =	sadd.s32 s1, s30  }
0xb9: {  	s0 =	sor.u32 s3, s0;
	s1 =	sshll.u32 s1, $0x11  }
0xba: {  	s0 =	sor.u32 s1, s0  }
0xbb: {  	s0 =	sadd.s32 $0x8F2B, s0  }
0xbc: {  	[sflag:s0] =	ssyncadd.remote.s32 $0x1  }
0xbd: {  	_ =	sfence.sel $0xFFFF  }
0xbe: {  	[dreg:$0x0] =	wrdreg $0xFFFFFFFF;
	(pc) =	sbr.abs _section_cstart, $3  }
0xbf: {  	[dreg:$0x1] =	wrdreg $0xFFFFFFFF  }
0xc0: {  	_ =	task.clear_ibuf [dreg:s6], $0x2FFFF;
	_ =	strace $0x9FFFFFFF  }
0xc1: {  	(tm) =	ssettm $0x7FFFFFFF  }
tec
execute0_lowered:
.L_overlay_start_1:
0x0: {  	(tag) =	ssettag $0x1  }
0x1: {  	s0 =	rddreg [dreg:$0x0]  }
0x2: {  	s2 =	simm.s32 $0x0;
	s3 =	srdreg.scid;
	s1 =	stileid.u32  }
0x3: {  	s16 =	simm.s32 $0x1;
	s17 =	simm.s32 $0x1000;
	s18 =	simm.s32 $0x2000  }
0x4: {  	s19 =	simm.s32 $0x3000;
	s20 =	simm.s32 $0x3200;
	s21 =	simm.s32 $0x3400  }
0x5: {  	s22 =	simm.s32 $0x3600;
	s23 =	simm.s32 $0x3800;
	s24 =	simm.s32 $0x3A00  }
0x6: {  	s25 =	simm.s32 $0x3C00;
	s26 =	simm.s32 $0x3E00;
	s28 =	simm.s32 $0x4000  }
0x7: {  	s29 =	simm.s32 $0x0;
	[smem:$0x7FF] =	sst s2;
	s5 =	sand.u32 $0x1, s3  }
0x8: {  	s3 =	sadd.s32 $0x1C00, s0;
	s6 =	sshll.u32 s1, $0x7;
	s7 =	sshll.u32 s5, $0x6  }
0x9: {  	s4 =	sadd.s32 $0x1A00, s0;
	s30 =	ssub.s32 $0x2, s5;
	s6 =	sor.u32 s7, s6  }
0xa: {  	s5 =	sadd.s32 $0x1800, s0;
	s31 =	sshrl.u32 s30, $0x1;
	s0 =	sadd.s32 s6, s0  }
0xb: {  	_ =	strace $0x80000047;
	s15 =	ssub.s32 s30, s31;
	s6 =	sadd.s32 $0x4E00, s0  }
0xc: {  	s7 =	sadd.s32 $0x4600, s0;
	s8 =	sadd.s32 $0x3E00, s0;
	s9 =	sadd.s32 $0x3600, s0  }
0xd: {  	s10 =	sadd.s32 $0x2E00, s0;
	s11 =	sadd.s32 $0x2600, s0;
	s12 =	sadd.s32 $0x1E00, s0  }
0xe: {  	s13 =	sadd.s32 $0x5600, s0;
	s14 =	sadd.s32 $0x5E00, s0;
	s15 =	smax.u32 s15, $0x1  }
.LBB2_1:
0xf: {  	[tilespmem:s2], [sflag:$0x1] =	stream.linear.gather [hbm4b:s3+s2], $0x1000, $0x38;
	[tilespmem:$0x4200] =	vst v63  }
0x10: {  	_ =	swait.ge [sflag:s16], $0x1000  }
0x11: {  	[sflag:s16] =	ssyncset.done $0x0  }
0x12: {  	[sflag:s16] =	ssyncadd.s32 $0xFFFFF000  }
0x13: {  	[tilespmem:s17], [sflag:$0x1] =	stream.linear.gather [hbm4b:s4+s2], $0x1000, $0x38;
	[tilespmem:$0x4200] =	vst v63  }
0x14: {  	_ =	swait.ge [sflag:s16], $0x1000  }
0x15: {  	[sflag:s16] =	ssyncset.done $0x0  }
0x16: {  	[sflag:s16] =	ssyncadd.s32 $0xFFFFF000  }
0x17: {  	[tilespmem:s18], [sflag:$0x1] =	stream.linear.gather [hbm4b:s5+s2], $0x1000, $0x38;
	[tilespmem:$0x4200] =	vst v63  }
0x18: {  	_ =	swait.ge [sflag:s16], $0x1000  }
0x19: {  	[sflag:s16] =	ssyncset.done $0x0  }
0x1a: {  	[sflag:s16] =	ssyncadd.s32 $0xFFFFF000  }
0x1b: {  	[tilespmem:s19], [sflag:$0x1] =	stream.linear.gather [hbm4b:s6+s2], $0x200, $0x38;
	[tilespmem:$0x4200] =	vst v63  }
0x1c: {  	_ =	swait.ge [sflag:s16], $0x200  }
0x1d: {  	[sflag:s16] =	ssyncset.done $0x0  }
0x1e: {  	[sflag:s16] =	ssyncadd.s32 $0xFFFFFE00  }
0x1f: {  	[tilespmem:s20], [sflag:$0x1] =	stream.linear.gather [hbm4b:s7+s2], $0x200, $0x38;
	[tilespmem:$0x4200] =	vst v63  }
0x20: {  	_ =	swait.ge [sflag:s16], $0x200  }
0x21: {  	[sflag:s16] =	ssyncset.done $0x0  }
0x22: {  	[sflag:s16] =	ssyncadd.s32 $0xFFFFFE00  }
0x23: {  	[tilespmem:s21], [sflag:$0x1] =	stream.linear.gather [hbm4b:s8+s2], $0x200, $0x38;
	[tilespmem:$0x4200] =	vst v63  }
0x24: {  	_ =	swait.ge [sflag:s16], $0x200  }
0x25: {  	[sflag:s16] =	ssyncset.done $0x0  }
0x26: {  	[sflag:s16] =	ssyncadd.s32 $0xFFFFFE00  }
0x27: {  	[tilespmem:s22], [sflag:$0x1] =	stream.linear.gather [hbm4b:s9+s2], $0x200, $0x38;
	[tilespmem:$0x4200] =	vst v63  }
0x28: {  	_ =	swait.ge [sflag:s16], $0x200  }
0x29: {  	[sflag:s16] =	ssyncset.done $0x0  }
0x2a: {  	[sflag:s16] =	ssyncadd.s32 $0xFFFFFE00  }
0x2b: {  	[tilespmem:s23], [sflag:$0x1] =	stream.linear.gather [hbm4b:s10+s2], $0x200, $0x38;
	[tilespmem:$0x4200] =	vst v63  }
0x2c: {  	_ =	swait.ge [sflag:s16], $0x200  }
0x2d: {  	[sflag:s16] =	ssyncset.done $0x0  }
0x2e: {  	[sflag:s16] =	ssyncadd.s32 $0xFFFFFE00  }
0x2f: {  	[tilespmem:s24], [sflag:$0x1] =	stream.linear.gather [hbm4b:s11+s2], $0x200, $0x38;
	[tilespmem:$0x4200] =	vst v63  }
0x30: {  	_ =	swait.ge [sflag:s16], $0x200  }
0x31: {  	[sflag:s16] =	ssyncset.done $0x0  }
0x32: {  	[sflag:s16] =	ssyncadd.s32 $0xFFFFFE00  }
0x33: {  	[tilespmem:s25], [sflag:$0x1] =	stream.linear.gather [hbm4b:s12+s2], $0x200, $0x38;
	[tilespmem:$0x4200] =	vst v63  }
0x34: {  	_ =	swait.ge [sflag:s16], $0x200  }
0x35: {  	[sflag:s16] =	ssyncset.done $0x0  }
0x36: {  	s30 =	simm.s32 $0x0;
	[sflag:s16] =	ssyncadd.s32 $0xFFFFFE00  }
0x37: {  	v0 =	vld [tilespmem:s30+$0x3000];
	_ =	sdelay $0x3  }
0x38: {  	v2 =	vld [tilespmem:s30+$0x3800]  }
0x39: {  	v3 =	vld [tilespmem:s30+$0x3200]  }
0x3a: {  	v6 =	vld [tilespmem:s30+$0x3400]  }
0x3b: {  	v7 =	vld [tilespmem:s30+$0x3600]  }
0x3c: {  	v4 =	vld.idx.msk [tilespmem:v0+s2+$0x0], $0xffff  }
0x3d: {  	v5 =	vld.idx.msk [tilespmem:v0+s17+$0x0], $0xffff  }
0x3e: {  	v0 =	vld.idx.msk [tilespmem:v0+s18+$0x0], $0xffff  }
0x3f: {  	v1 =	vld [tilespmem:s30+$0x3A00];
	_ =	sdelay $0x1  }
0x40: {  	v3 =	vsub.f32 v4, v3  }
0x41: {  	v4 =	vsub.f32 v5, v6;
	v5 =	vld [tilespmem:s30+$0x3C00]  }
0x42: {  	v0 =	vsub.f32 v0, v7;
	v6 =	vsub.f32 v2, v3  }
0x43: {  	v2 =	vmul.f32 v4, v4;
	v7 =	vsub.f32 v1, v4;
	v3 =	vmul.f32 v3, v3  }
0x44: {  	v1 =	vmul.f32 v0, v0;
	v4 =	vmul.f32 $5.000000000e-01, v6  }
0x45: {  	v9 =	vand.u32 $0x7FFFFFFF, v6;
	v8 =	vand.u32 $0x7FFFFFFF, v7;
	v10 =	vmul.f32 $5.000000000e-01, v7  }
0x46: {  	v2 =	vadd.f32 v2, v3;
	v3 =	vsub.f32 v5, v0;
	v6 =	vmul.f32 v4, v6  }
0x47: {  	s31 =	simm.s32 $0x10;
	vm1 =	vlt.f32 v8, $1.000000000e+00;
	v7 =	vmul.f32 v10, v7;
	v10 =	vadd.f32 $-5.000000000e-01, v8  }
0x48: {  	v0 =	vld [tilespmem:s31+$0x3000];
	v4 =	vadd.f32 $-5.000000000e-01, v9;
	v8 =	vmul.f32 $5.000000000e-01, v3;
	v5 =	vadd.f32 $0.0e+00, v6  }
0x49: {  	s0 =	simm.s32 $0x80;
	vm0 =	vlt.f32 v9, $1.000000000e+00;
	v7 =	vsel vm1, v7, v10;
	v6 =	vand.u32 $0x7FFFFFFF, v3  }
.LBB2_2:
0x4a: {  	p0 =	sne.s32 s0, $0x7C0;
	v4 =	vsel vm0, v5, v4;
	v3 =	vmul.f32 v8, v3;
	v5 =	vadd.f32 $-5.000000000e-01, v6;
	s1 =	smov.u32 s0;
	s0 =	sadd.s32 $0x40, s0  }
0x4b: {  	v1 =	vadd.f32 v1, v2;
	vm0 =	vlt.f32 v6, $1.000000000e+00;
	v2 =	vadd.f32 v7, v4  }
0x4c: {  	v3 =	vsel vm0, v3, v5  }
0x4d: {  	v4 =	vld [tilespmem:s31+$0x3A00];
	[tilespmem:s30+$0x3E00] =	vst v1;
	v1 =	vadd.f32 v3, v2  }
0x4e: {  	v2 =	vld [tilespmem:s31+$0x3800]  }
0x4f: {  	v3 =	vld [tilespmem:s31+$0x3200];
	[tilespmem:s30+$0x4000] =	vst v1;
	s30 =	smov.u32 s31  }
0x50: {  	v1 =	vld.idx.msk [tilespmem:v0+s2+$0x0], $0xffff  }
0x51: {  	v5 =	vld.idx.msk [tilespmem:v0+s17+$0x0], $0xffff  }
0x52: {  	v6 =	vld [tilespmem:s30+$0x3400]  }
0x53: {  	v7 =	vld.idx.msk [tilespmem:v0+s18+$0x0], $0xffff  }
0x54: {  	v8 =	vld [tilespmem:s30+$0x3600];
	_ =	sdelay $0x1  }
0x55: {  	v1 =	vsub.f32 v1, v3  }
0x56: {  	v3 =	vsub.f32 v5, v6;
	v5 =	vld [tilespmem:s30+$0x3C00]  }
0x57: {  	s31 =	sshra.s32 s1, $0x2;
	v6 =	vsub.f32 v2, v1  }
0x58: {  	v0 =	vld [tilespmem:s31+$0x3000];
	v7 =	vsub.f32 v7, v8;
	v2 =	vmul.f32 v3, v3;
	v8 =	vsub.f32 v4, v3  }
0x59: {  	v3 =	vmul.f32 v1, v1;
	v9 =	vand.u32 $0x7FFFFFFF, v6;
	v4 =	vmul.f32 $5.000000000e-01, v6  }
.Ltmp0:
0x5a: {  	v1 =	vmul.f32 v7, v7;
	v10 =	vand.u32 $0x7FFFFFFF, v8;
	v11 =	vmul.f32 $5.000000000e-01, v8;
	(pc) =	sbr.rel @p0 .LBB2_2-.Ltmp0, $4  }
0x5b: {  	v2 =	vadd.f32 v2, v3;
	v6 =	vmul.f32 v4, v6;
	v3 =	vsub.f32 v5, v7  }
0x5c: {  	v4 =	vadd.f32 $-5.000000000e-01, v9;
	v7 =	vmul.f32 v11, v8;
	v11 =	vadd.f32 $-5.000000000e-01, v10  }
0x5d: {  	vm1 =	vlt.f32 v10, $1.000000000e+00;
	v5 =	vadd.f32 $0.0e+00, v6;
	v8 =	vmul.f32 $5.000000000e-01, v3  }
0x5e: {  	vm0 =	vlt.f32 v9, $1.000000000e+00;
	v6 =	vand.u32 $0x7FFFFFFF, v3;
	v7 =	vsel vm1, v7, v11  }
0x5f: {  	v4 =	vsel vm0, v5, v4;
	v3 =	vmul.f32 v8, v3;
	v44 =	vadd.f32 $-5.000000000e-01, v6  }
0x60: {  	v1 =	vadd.f32 v1, v2;
	vm13 =	vlt.f32 v6, $1.000000000e+00;
	v45 =	vadd.f32 v7, v4  }
0x61: {  	v3 =	vsel vm13, v3, v44  }
0x62: {  	v46 =	vld [tilespmem:s31+$0x3A00];
	[tilespmem:s30+$0x3E00] =	vst v1;
	v47 =	vadd.f32 v3, v45  }
0x63: {  	v48 =	vld [tilespmem:s31+$0x3800]  }
0x64: {  	v49 =	vld [tilespmem:s31+$0x3200];
	[tilespmem:s30+$0x4000] =	vst v47  }
0x65: {  	v1 =	vld.idx.msk [tilespmem:v0+s2+$0x0], $0xffff  }
0x66: {  	v50 =	vld.idx.msk [tilespmem:v0+s17+$0x0], $0xffff  }
0x67: {  	v51 =	vld [tilespmem:s31+$0x3400]  }
0x68: {  	v52 =	vld.idx.msk [tilespmem:v0+s18+$0x0], $0xffff  }
0x69: {  	v53 =	vld [tilespmem:s31+$0x3600];
	_ =	sdelay $0x2  }
0x6a: {  	v55 =	vld [tilespmem:s31+$0x3C00];
	v1 =	vsub.f32 v1, v49  }
0x6b: {  	v54 =	vsub.f32 v50, v51  }
0x6c: {  	v0 =	vsub.f32 v52, v53;
	v2 =	vsub.f32 v48, v1  }
0x6d: {  	v6 =	vmul.f32 v54, v54;
	v3 =	vsub.f32 v46, v54;
	v1 =	vmul.f32 v1, v1  }
0x6e: {  	v58 =	vmul.f32 v0, v0;
	v57 =	vmul.f32 $5.000000000e-01, v2  }
0x6f: {  	v0 =	vsub.f32 v55, v0;
	v56 =	vand.u32 $0x7FFFFFFF, v2;
	v9 =	vand.u32 $0x7FFFFFFF, v3  }
0x70: {  	v10 =	vmul.f32 $5.000000000e-01, v3;
	v1 =	vadd.f32 v6, v1;
	v2 =	vmul.f32 v57, v2  }
0x71: {  	v61 =	vmul.f32 $5.000000000e-01, v0;
	v62 =	vand.u32 $0x7FFFFFFF, v0;
	v59 =	vadd.f32 $-5.000000000e-01, v56  }
0x72: {  	v60 =	vadd.f32 $-5.000000000e-01, v9;
	v3 =	vmul.f32 v10, v3;
	v2 =	vadd.f32 $0.0e+00, v2  }
0x73: {  	vm14 =	vlt.f32 v9, $1.000000000e+00;
	vm1 =	vlt.f32 v56, $1.000000000e+00;
	v63 =	vadd.f32 $-5.000000000e-01, v62  }
0x74: {  	v0 =	vmul.f32 v61, v0;
	v3 =	vsel vm14, v3, v60;
	v2 =	vsel vm1, v2, v59  }
0x75: {  	vm15 =	vlt.f32 v62, $1.000000000e+00;
	v2 =	vadd.f32 v3, v2  }
0x76: {  	v1 =	vadd.f32 v58, v1;
	v0 =	vsel vm15, v0, v63  }
0x77: {  	v0 =	vadd.f32 v0, v2  }
0x78: {  	[tilespmem:s31+$0x3E00] =	vst v1  }
0x79: {  	[tilespmem:s31+$0x4000] =	vst v0  }
0x7a: {  	[hbm4b:s13+s2] =	stream.linear.scatter [tilespmem:s26], [sflag:$0x1], $0x200, $0x38;
	[tilespmem:$0x4200] =	vst v63  }
0x7b: {  	s29 =	sadd.s32 $0x1, s29;
	_ =	swait.ge [sflag:s16], $0x200  }
0x7c: {  	p0 =	sne.s32 s29, s15;
	[sflag:s16] =	ssyncset.done $0x0  }
.Ltmp1:
0x7d: {  	[sflag:s16] =	ssyncadd.s32 $0xFFFFFE00;
	(pc) =	sbr.rel @p0 .LBB2_1-.Ltmp1, $4  }
0x7e: {  	[hbm4b:s14+s2] =	stream.linear.scatter [tilespmem:s28], [sflag:$0x1], $0x200, $0x38;
	[tilespmem:$0x4200] =	vst v63  }
0x7f: {  	_ =	swait.ge [sflag:s16], $0x200  }
0x80: {  	[sflag:s16] =	ssyncset.done $0x0  }
0x81: {  	[sflag:s16] =	ssyncadd.s32 $0xFFFFFE00  }
0x82: {  	_ =	sfence.sel $0x180000  }
0x83: {  	[bflag:$0x0] =	sbarrier.arrive $0xFFFF  }
0x84: {  	_ =	strace $0x90000047  }
0x85: {  	s0 =	stileid.u32;
	[bflag:$0x2] =	sbarrier.arrive $0xFFFF  }
0x86: {  	p0 =	sne.s32 s0, $0x0;
	s0 =	rddreg [dreg:$0x1]  }
0x87: {  	s0 =	sadd.s32 @!p0 $0x100000, s0  }
0x88: {  	[sflag:s0] =	ssyncadd.tile.s32 @!p0 $0x1;
	_ =	shalt  }
.Lfunc_end2:
_tile_overlayer_lowered:
.L_overlay_start_2:
0x89: {  	(tag) =	ssettag $0x2  }
0x8a: {  	s0 =	rddreg [dreg:$0x0];
	s2 =	stileid.u32  }
0x8b: {  	s1 =	rddreg [dreg:$0x1];
	p0 =	sne.s32 s2, $0x0  }
0x8c: {  	s3 =	rddreg [dreg:$0x2];
	[bflag:$0x3] =	sbarrier.arrive $0xFFFF;
	s2 =	simm.s32 @!p0 $0x1C01  }
0x8d: {  	[timem:s3], [sflag:s2] =	dma.local @!p0 [hbm:s0], s1  }
0x8e: {  	s0 =	simm.s32 @!p0 $0x1  }
0x8f: {  	_ =	swait.ge @!p0 [sflag:s0], s1  }
0x90: {  	s1 =	ssub.s32 @!p0 $0x0, s1;
	[sflag:s0] =	ssyncset.done @!p0 $0x0  }
0x91: {  	[sflag:s0] =	ssyncadd.s32 @!p0 s1  }
0x92: {  	[bflag:$0x3] =	sbarrier.arrive $0xFFFF  }
0x93: {  	_ =	shalt  }

</sc_bundles>
